<compile_context>
chip_gen: v7x
topology: tpu7x:2x2x1
jax: 0.10.2.dev20260603
libtpu: 0.0.44.dev20260713+nightly
codegen_flags: <defaults>
</compile_context>

<pallas_src>
import functools

import jax
import jax.numpy as jnp
from jax import lax
from jax.experimental import pallas as pl
from jax.experimental.pallas import tpu as pltpu
from jax.experimental.pallas import tpu_sc as plsc

N = 10000
E = 320000
D = 128
P = 3

NPAD = 10240
NW = 32
CHUNK = 128
CH = 79
EPAD = NW * CH * CHUNK
STRIPE = NPAD // 16
GRP = CHUNK // 16

_mesh = plsc.VectorSubcoreMesh(core_axis_name="c", subcore_axis_name="s")


@functools.partial(
    pl.kernel,
    mesh=_mesh,
    out_type=(
        jax.ShapeDtypeStruct((2 * NPAD, D), jnp.float32),
        jax.ShapeDtypeStruct((NW, NPAD), jnp.float32),
    ),
    scratch_types=[
        pltpu.VMEM((CH, CHUNK), jnp.int32),
        pltpu.VMEM((CH, CHUNK), jnp.int32),
        pltpu.VMEM((CHUNK, D), jnp.float32),
        pltpu.VMEM((NPAD,), jnp.float32),
        pltpu.VMEM_SHARED((NPAD, D), jnp.float32),
        pltpu.SemaphoreType.DMA,
    ],
    compiler_params=pltpu.CompilerParams(use_tc_tiling_on_sc=False,
                                         needs_layout_passes=False),
)
def _sc_segsum(u_hbm, dst_hbm, src_hbm, ztbl_hbm, zcnt_hbm,
               acc_out, cnt_out, dst_v, src_v, rows, cnt_v, acc_sh, sg):
    c = lax.axis_index("c")
    s = lax.axis_index("s")
    w = c * 16 + s
    pltpu.sync_copy(ztbl_hbm.at[pl.ds(s * STRIPE, STRIPE)],
                    acc_sh.at[pl.ds(s * STRIPE, STRIPE)])
    pltpu.sync_copy(zcnt_hbm, cnt_v)
    pltpu.sync_copy(dst_hbm.at[w], dst_v)
    pltpu.sync_copy(src_hbm.at[w], src_v)
    plsc.subcore_barrier()

    ones16 = jnp.ones((16,), jnp.float32)

    def body(j, carry):
        cp = pltpu.async_copy(u_hbm.at[dst_v.at[j]], rows, sg)
        for g in range(GRP):
            sv = src_v[j, pl.ds(g * 16, 16)]
            plsc.addupdate_scatter(cnt_v, [sv], ones16)
        cp.wait()
        pltpu.sync_copy(rows, acc_sh.at[src_v.at[j]], add=True)
        return carry

    lax.fori_loop(0, CH, body, 0)
    plsc.subcore_barrier()

    pltpu.sync_copy(acc_sh.at[pl.ds(s * STRIPE, STRIPE)],
                    acc_out.at[pl.ds(c * NPAD + s * STRIPE, STRIPE)])
    pltpu.sync_copy(cnt_v, cnt_out.at[w])


BLK = 5120


def _prep_body(x_ref, pos_ref, w2_ref, w3_ref, u_ref):
    u_ref[...] = (jnp.dot(x_ref[...], w2_ref[...],
                          preferred_element_type=jnp.float32)
                  + jnp.dot(pos_ref[...], w3_ref[...],
                            preferred_element_type=jnp.float32))


def _tc_prep(x, pos8, w2, w3p):
    full = lambda shape: pl.BlockSpec(shape, lambda i: (0,) * len(shape))
    return pl.pallas_call(
        _prep_body,
        grid=(NPAD // BLK,),
        in_specs=[
            pl.BlockSpec((BLK, D), lambda i: (i, 0)),
            pl.BlockSpec((BLK, 8), lambda i: (i, 0)),
            full((D, D)),
            full((8, D)),
        ],
        out_specs=pl.BlockSpec((BLK, D), lambda i: (i, 0)),
        out_shape=jax.ShapeDtypeStruct((NPAD, D), jnp.float32),
    )(x, pos8, w2, w3p)


def _combine_body(x_ref, u_ref, acc_ref, cnt_ref, w1_ref, wa1_ref, wa2_ref,
                  bmsg_ref, bagg_ref, out_ref):
    x = x_ref[...]
    acc = acc_ref[0] + acc_ref[1]
    cnt = jnp.sum(cnt_ref[...], axis=0)[:, None]
    maxc = jnp.maximum(cnt, 1.0)
    ind = (cnt > 0.0).astype(jnp.float32)
    aggr = (ind * (jnp.dot(x, w1_ref[...],
                           preferred_element_type=jnp.float32)
                   - u_ref[...] + bmsg_ref[...])
            + acc / maxc)
    out_ref[...] = (jnp.dot(x, wa1_ref[...],
                            preferred_element_type=jnp.float32)
                    + jnp.dot(aggr, wa2_ref[...],
                              preferred_element_type=jnp.float32)
                    + bagg_ref[...])


def _tc_combine(x, u, acc, cnt, w1, wa1, wa2, bmsg, bagg):
    full = lambda shape: pl.BlockSpec(shape, lambda i: (0,) * len(shape))
    return pl.pallas_call(
        _combine_body,
        grid=(NPAD // BLK,),
        in_specs=[
            pl.BlockSpec((BLK, D), lambda i: (i, 0)),
            pl.BlockSpec((BLK, D), lambda i: (i, 0)),
            pl.BlockSpec((2, BLK, D), lambda i: (0, i, 0)),
            pl.BlockSpec((NW, BLK), lambda i: (0, i)),
            full((D, D)),
            full((D, D)),
            full((D, D)),
            full((1, D)),
            full((1, D)),
        ],
        out_specs=pl.BlockSpec((BLK, D), lambda i: (i, 0)),
        out_shape=jax.ShapeDtypeStruct((NPAD, D), jnp.float32),
    )(x, u, acc, cnt, w1, wa1, wa2, bmsg, bagg)


def kernel(x, edge_index, pos, W_msg, b_msg, W_agg, b_agg):
    src = edge_index[0].astype(jnp.int32)
    dst = edge_index[1].astype(jnp.int32)
    ppw = CH * CHUNK - E // NW
    pad_rows = N + (jnp.arange(NW * ppw, dtype=jnp.int32) % (NPAD - N))
    pad_rows = pad_rows.reshape(NW, ppw)
    src_p = jnp.concatenate([src.reshape(NW, E // NW), pad_rows],
                            axis=1).reshape(NW, CH, CHUNK)
    dst_p = jnp.concatenate([dst.reshape(NW, E // NW), pad_rows],
                            axis=1).reshape(NW, CH, CHUNK)

    x_pad = jnp.zeros((NPAD, D), jnp.float32).at[:N].set(x)
    pos8 = jnp.zeros((NPAD, 8), jnp.float32).at[:N, :P].set(pos)

    W1, W2, W3 = W_msg[:D], W_msg[D:2 * D], W_msg[2 * D:]
    w3p = jnp.concatenate([W3, jnp.zeros((8 - P, D), jnp.float32)], axis=0)

    u = _tc_prep(x_pad, pos8, W2, w3p)

    ztbl = jnp.zeros((NPAD, D), jnp.float32)
    zcnt = jnp.zeros((NPAD,), jnp.float32)
    acc, cnt = _sc_segsum(u, dst_p, src_p, ztbl, zcnt)
    acc = acc.reshape(2, NPAD, D)

    out = _tc_combine(x_pad, u, acc, cnt, W1, W_agg[:D], W_agg[D:],
                      b_msg[None, :], b_agg[None, :])
    return out[:N]

# --- scband reference (transcript-rebuilt; emitter-appended) ---
"""Pipeline reference for scband-mpnndiff-16484084483096 (READ-ONLY COPY).

The authoritative reference and input builder live on the scoring server;
editing this copy changes nothing except your own understanding.
"""

import jax, jax.numpy as jnp
import numpy as np

N = 10000
E = 320000
D = 128
P = 3


def setup_inputs(seed: int = 0) -> dict:
    key = jax.random.key(seed)
    k1, k2, k3, k4, k5 = jax.random.split(key, 5)
    x = jax.random.normal(k1, (N, D), dtype=jnp.float32)
    edge_index = jax.random.randint(k2, (2, E), 0, N, dtype=jnp.int64)
    pos = jax.random.normal(k3, (N, P), dtype=jnp.float32)
    # msg_net: Linear(2*D + P -> D); stored as [in, out] so fwd is inputs @ W + b
    W_msg = jax.random.normal(k4, (2 * D + P, D), dtype=jnp.float32) * 0.02
    b_msg = jnp.zeros((D,), dtype=jnp.float32)
    # aggr_net: Linear(2*D -> D)
    W_agg = jax.random.normal(k5, (2 * D, D), dtype=jnp.float32) * 0.02
    b_agg = jnp.zeros((D,), dtype=jnp.float32)
    return {"x": x, "edge_index": edge_index, "pos": pos,
            "W_msg": W_msg, "b_msg": b_msg, "W_agg": W_agg, "b_agg": b_agg}


def reference(x, edge_index, pos, W_msg, b_msg, W_agg, b_agg):
    # flow='target_to_source': x_i = x[edge_index[0]] (source), x_j = x[edge_index[1]] (target),
    # aggregation (mean) at edge_index[0].
    src = edge_index[0]
    dst = edge_index[1]
    x_i = jnp.take(x, src, axis=0)
    x_j = jnp.take(x, dst, axis=0)
    pos_i = jnp.take(pos, src, axis=0)
    pos_j = jnp.take(pos, dst, axis=0)
    # message (neighbor_loc='position')
    inputs = jnp.concatenate([x_i, x_j - x_i, pos_j - pos_i], axis=1)
    msg = inputs @ W_msg + b_msg
    # mean aggregation over src index
    msg_sum = jax.ops.segment_sum(msg, src, num_segments=N)
    cnt = jax.ops.segment_sum(jnp.ones((E, 1), dtype=x.dtype), src, num_segments=N)
    aggr_out = msg_sum / jnp.maximum(cnt, 1.0)
    # update (self_val=True)
    inp = jnp.concatenate([x, aggr_out], axis=1)
    out = inp @ W_agg + b_agg
    return out

if __name__ == "__main__":
    import jax
    _d = setup_inputs()
    print(jax.jit(kernel)(*tuple(_d.values())))

</pallas_src>

<mosaic_0001>
#map = affine_map<(d0, d1) -> (0, 0)>
#map1 = affine_map<(d0, d1) -> (0, 0, 0)>
#map2 = affine_map<(d0, d1) -> (0)>
module attributes {stable_mosaic.version = 14 : i64} {
  func.func @_sc_segsum(%arg0: i32, %arg1: i32, %arg2: memref<10240x128xf32, #tpu.memory_space<hbm>>, %arg3: memref<32x79x128xi32, #tpu.memory_space<hbm>>, %arg4: memref<32x79x128xi32, #tpu.memory_space<hbm>>, %arg5: memref<10240x128xf32, #tpu.memory_space<hbm>>, %arg6: memref<10240xf32, #tpu.memory_space<hbm>>, %arg7: memref<20480x128xf32, #tpu.memory_space<hbm>>, %arg8: memref<32x10240xf32, #tpu.memory_space<hbm>>, %arg9: memref<79x128xi32, #tpu.memory_space<vmem>>, %arg10: memref<79x128xi32, #tpu.memory_space<vmem>>, %arg11: memref<128x128xf32, #tpu.memory_space<vmem>>, %arg12: memref<10240xf32, #tpu.memory_space<vmem>>, %arg13: memref<10240x128xf32, #tpu.memory_space<vmem_shared>>, %arg14: memref<!tpu.dma_semaphore, #tpu.memory_space<semaphore_mem>>) attributes {dimension_semantics = [#tpu.dimension_semantics<core_parallel>, #tpu.dimension_semantics<subcore_parallel>], iteration_bounds = array<i64: 2, 16>, scalar_prefetch = 0 : i64, scratch_operands = 6 : i64, tpu.core_type = #tpu.core_type<sc_vector_subcore>, window_params = [{transform_indices = #map}, {transform_indices = #map1}, {transform_indices = #map1}, {transform_indices = #map}, {transform_indices = #map2}, {transform_indices = #map}, {transform_indices = #map}]} {
    %mul3A = arith.constant 16 : i32
    %mul3A_0 = arith.muli %arg0, %mul3A : i32
    %add3A = arith.addi %mul3A_0, %arg1 : i32
    %mul3A_1 = arith.constant 640 : i32
    %mul3A_2 = arith.muli %arg1, %mul3A_1 : i32
    %mul3A_3 = arith.constant 640 : i32
    %mul3A_4 = arith.muli %arg1, %mul3A_3 : i32
    "tpu.region"() ({
      %run_scoped3A = tpu.sem_alloc : memref<!tpu.dma_semaphore, #tpu.memory_space<semaphore_mem>>
      %dma_start3A = arith.constant 0 : i32
      %dma_start3A_19 = tpu.memref_slice %arg13[%mul3A_4, %dma_start3A] : memref<10240x128xf32, #tpu.memory_space<vmem_shared>> -> memref<640x128xf32, #tpu.memory_space<vmem_shared>>
      %dma_start3A_20 = arith.constant 0 : i32
      %dma_start3A_21 = tpu.memref_slice %arg5[%mul3A_2, %dma_start3A_20] : memref<10240x128xf32, #tpu.memory_space<hbm>> -> memref<640x128xf32, #tpu.memory_space<hbm>>
      tpu.enqueue_dma source(%dma_start3A_21 : memref<640x128xf32, #tpu.memory_space<hbm>>) target(%dma_start3A_19 : memref<640x128xf32, #tpu.memory_space<vmem_shared>>) target_semaphore(%run_scoped3A : memref<!tpu.dma_semaphore, #tpu.memory_space<semaphore_mem>>)
      %dma_wait3A = arith.constant 0 : i32
      %dma_wait3A_22 = tpu.memref_slice %arg13[%mul3A_4, %dma_wait3A] : memref<10240x128xf32, #tpu.memory_space<vmem_shared>> -> memref<640x128xf32, #tpu.memory_space<vmem_shared>>
      %dma_wait3A_23 = arith.constant 0 : i32
      %dma_wait3A_24 = tpu.memref_slice %arg5[%mul3A_2, %dma_wait3A_23] : memref<10240x128xf32, #tpu.memory_space<hbm>> -> memref<640x128xf32, #tpu.memory_space<hbm>>
      tpu.wait_dma2 semaphore(%run_scoped3A : memref<!tpu.dma_semaphore, #tpu.memory_space<semaphore_mem>>) src(%dma_wait3A_24 : memref<640x128xf32, #tpu.memory_space<hbm>>) dst(%dma_wait3A_22 : memref<640x128xf32, #tpu.memory_space<vmem_shared>>)
      tpu.yield
    }) : () -> ()
    "tpu.region"() ({
      %run_scoped3A = tpu.sem_alloc : memref<!tpu.dma_semaphore, #tpu.memory_space<semaphore_mem>>
      tpu.enqueue_dma source(%arg6 : memref<10240xf32, #tpu.memory_space<hbm>>) target(%arg12 : memref<10240xf32, #tpu.memory_space<vmem>>) target_semaphore(%run_scoped3A : memref<!tpu.dma_semaphore, #tpu.memory_space<semaphore_mem>>)
      tpu.wait_dma2 semaphore(%run_scoped3A : memref<!tpu.dma_semaphore, #tpu.memory_space<semaphore_mem>>) src(%arg6 : memref<10240xf32, #tpu.memory_space<hbm>>) dst(%arg12 : memref<10240xf32, #tpu.memory_space<vmem>>)
      tpu.yield
    }) : () -> ()
    "tpu.region"() ({
      %run_scoped3A = tpu.sem_alloc : memref<!tpu.dma_semaphore, #tpu.memory_space<semaphore_mem>>
      %dma_start3A = arith.constant 0 : i32
      %dma_start3A_19 = arith.constant 0 : i32
      %dma_start3A_20 = tpu.memref_slice %arg3[%add3A, %dma_start3A, %dma_start3A_19] : memref<32x79x128xi32, #tpu.memory_space<hbm>> -> memref<1x79x128xi32, #tpu.memory_space<hbm>>
      %dma_start3A_21 = tpu.memref_squeeze %dma_start3A_20 : memref<1x79x128xi32, #tpu.memory_space<hbm>> -> memref<79x128xi32, #tpu.memory_space<hbm>>
      %dma_start3A_22 = arith.constant 0 : i32
      %dma_start3A_23 = arith.constant 0 : i32
      %dma_start3A_24 = tpu.memref_slice %arg3[%add3A, %dma_start3A_22, %dma_start3A_23] : memref<32x79x128xi32, #tpu.memory_space<hbm>> -> memref<1x79x128xi32, #tpu.memory_space<hbm>>
      %dma_start3A_25 = tpu.memref_squeeze %dma_start3A_24 : memref<1x79x128xi32, #tpu.memory_space<hbm>> -> memref<79x128xi32, #tpu.memory_space<hbm>>
      tpu.enqueue_dma source(%dma_start3A_25 : memref<79x128xi32, #tpu.memory_space<hbm>>) target(%arg9 : memref<79x128xi32, #tpu.memory_space<vmem>>) target_semaphore(%run_scoped3A : memref<!tpu.dma_semaphore, #tpu.memory_space<semaphore_mem>>)
      %dma_wait3A = arith.constant 0 : i32
      %dma_wait3A_26 = arith.constant 0 : i32
      %dma_wait3A_27 = tpu.memref_slice %arg3[%add3A, %dma_wait3A, %dma_wait3A_26] : memref<32x79x128xi32, #tpu.memory_space<hbm>> -> memref<1x79x128xi32, #tpu.memory_space<hbm>>
      %dma_wait3A_28 = tpu.memref_squeeze %dma_wait3A_27 : memref<1x79x128xi32, #tpu.memory_space<hbm>> -> memref<79x128xi32, #tpu.memory_space<hbm>>
      %dma_wait3A_29 = arith.constant 0 : i32
      %dma_wait3A_30 = arith.constant 0 : i32
      %dma_wait3A_31 = tpu.memref_slice %arg3[%add3A, %dma_wait3A_29, %dma_wait3A_30] : memref<32x79x128xi32, #tpu.memory_space<hbm>> -> memref<1x79x128xi32, #tpu.memory_space<hbm>>
      %dma_wait3A_32 = tpu.memref_squeeze %dma_wait3A_31 : memref<1x79x128xi32, #tpu.memory_space<hbm>> -> memref<79x128xi32, #tpu.memory_space<hbm>>
      tpu.wait_dma2 semaphore(%run_scoped3A : memref<!tpu.dma_semaphore, #tpu.memory_space<semaphore_mem>>) src(%dma_wait3A_32 : memref<79x128xi32, #tpu.memory_space<hbm>>) dst(%arg9 : memref<79x128xi32, #tpu.memory_space<vmem>>)
      tpu.yield
    }) : () -> ()
    "tpu.region"() ({
      %run_scoped3A = tpu.sem_alloc : memref<!tpu.dma_semaphore, #tpu.memory_space<semaphore_mem>>
      %dma_start3A = arith.constant 0 : i32
      %dma_start3A_19 = arith.constant 0 : i32
      %dma_start3A_20 = tpu.memref_slice %arg4[%add3A, %dma_start3A, %dma_start3A_19] : memref<32x79x128xi32, #tpu.memory_space<hbm>> -> memref<1x79x128xi32, #tpu.memory_space<hbm>>
      %dma_start3A_21 = tpu.memref_squeeze %dma_start3A_20 : memref<1x79x128xi32, #tpu.memory_space<hbm>> -> memref<79x128xi32, #tpu.memory_space<hbm>>
      %dma_start3A_22 = arith.constant 0 : i32
      %dma_start3A_23 = arith.constant 0 : i32
      %dma_start3A_24 = tpu.memref_slice %arg4[%add3A, %dma_start3A_22, %dma_start3A_23] : memref<32x79x128xi32, #tpu.memory_space<hbm>> -> memref<1x79x128xi32, #tpu.memory_space<hbm>>
      %dma_start3A_25 = tpu.memref_squeeze %dma_start3A_24 : memref<1x79x128xi32, #tpu.memory_space<hbm>> -> memref<79x128xi32, #tpu.memory_space<hbm>>
      tpu.enqueue_dma source(%dma_start3A_25 : memref<79x128xi32, #tpu.memory_space<hbm>>) target(%arg10 : memref<79x128xi32, #tpu.memory_space<vmem>>) target_semaphore(%run_scoped3A : memref<!tpu.dma_semaphore, #tpu.memory_space<semaphore_mem>>)
      %dma_wait3A = arith.constant 0 : i32
      %dma_wait3A_26 = arith.constant 0 : i32
      %dma_wait3A_27 = tpu.memref_slice %arg4[%add3A, %dma_wait3A, %dma_wait3A_26] : memref<32x79x128xi32, #tpu.memory_space<hbm>> -> memref<1x79x128xi32, #tpu.memory_space<hbm>>
      %dma_wait3A_28 = tpu.memref_squeeze %dma_wait3A_27 : memref<1x79x128xi32, #tpu.memory_space<hbm>> -> memref<79x128xi32, #tpu.memory_space<hbm>>
      %dma_wait3A_29 = arith.constant 0 : i32
      %dma_wait3A_30 = arith.constant 0 : i32
      %dma_wait3A_31 = tpu.memref_slice %arg4[%add3A, %dma_wait3A_29, %dma_wait3A_30] : memref<32x79x128xi32, #tpu.memory_space<hbm>> -> memref<1x79x128xi32, #tpu.memory_space<hbm>>
      %dma_wait3A_32 = tpu.memref_squeeze %dma_wait3A_31 : memref<1x79x128xi32, #tpu.memory_space<hbm>> -> memref<79x128xi32, #tpu.memory_space<hbm>>
      tpu.wait_dma2 semaphore(%run_scoped3A : memref<!tpu.dma_semaphore, #tpu.memory_space<semaphore_mem>>) src(%dma_wait3A_32 : memref<79x128xi32, #tpu.memory_space<hbm>>) dst(%arg10 : memref<79x128xi32, #tpu.memory_space<vmem>>)
      tpu.yield
    }) : () -> ()
    %barrier3A = arith.constant 0 : index
    tpu.barrier barrier_id(%barrier3A)
    %broadcast_in_dim3A = arith.constant 1.000000e+00 : f32
    %broadcast_in_dim3A_5 = vector.broadcast %broadcast_in_dim3A : f32 to vector<16xf32>
    %scan3A = arith.constant 0 : i32
    %scan3A_6 = arith.constant 0 : i32
    %scan3A_7 = arith.constant 79 : i32
    %scan3A_8 = arith.addi %scan3A_6, %scan3A_7 : i32
    %scan3A_9 = arith.constant 1 : i32
    scf.for %scan3A_19 = %scan3A_6 to %scan3A_8 step %scan3A_9  : i32 {
      %dma_start3A = arith.constant 0 : i32
      %dma_start3A_20 = tpu.memref_slice %arg9[%scan3A_19, %dma_start3A] : memref<79x128xi32, #tpu.memory_space<vmem>> -> memref<1x128xi32, #tpu.memory_space<vmem>>
      %dma_start3A_21 = tpu.memref_squeeze %dma_start3A_20 : memref<1x128xi32, #tpu.memory_space<vmem>> -> memref<128xi32, #tpu.memory_space<vmem>>
      %dma_start3A_22 = arith.constant 0 : i32
      %dma_start3A_23 = arith.constant 0 : i32
      %dma_start3A_24 = tpu.memref_slice %arg2[%dma_start3A_22, %dma_start3A_23] : memref<10240x128xf32, #tpu.memory_space<hbm>> -> memref<10240x128xf32, #tpu.memory_space<hbm>>
      tpu.enqueue_indirect_dma source(%dma_start3A_24 : memref<10240x128xf32, #tpu.memory_space<hbm>>) target(%arg11 : memref<128x128xf32, #tpu.memory_space<vmem>>) offsets(%dma_start3A_21 : memref<128xi32, #tpu.memory_space<vmem>>) semaphore(%arg14 : memref<!tpu.dma_semaphore, #tpu.memory_space<semaphore_mem>>)
      %get3A = arith.index_cast %scan3A_19 : i32 to index
      %get3A_25 = arith.constant 0 : index
      %get3A_26 = tpu.vector_load %arg10[%get3A, %get3A_25] {strides = array<i32>} : memref<79x128xi32, #tpu.memory_space<vmem>>, vector<16xi32>,
      tpu.vector_store_idx %arg12[%get3A_26], %broadcast_in_dim3A_5 {add = true} : memref<10240xf32, #tpu.memory_space<vmem>>[vector<16xi32>], vector<16xf32>,
      %get3A_27 = arith.index_cast %scan3A_19 : i32 to index
      %get3A_28 = arith.constant 16 : index
      %get3A_29 = tpu.vector_load %arg10[%get3A_27, %get3A_28] {strides = array<i32>} : memref<79x128xi32, #tpu.memory_space<vmem>>, vector<16xi32>,
      tpu.vector_store_idx %arg12[%get3A_29], %broadcast_in_dim3A_5 {add = true} : memref<10240xf32, #tpu.memory_space<vmem>>[vector<16xi32>], vector<16xf32>,
      %get3A_30 = arith.index_cast %scan3A_19 : i32 to index
      %get3A_31 = arith.constant 32 : index
      %get3A_32 = tpu.vector_load %arg10[%get3A_30, %get3A_31] {strides = array<i32>} : memref<79x128xi32, #tpu.memory_space<vmem>>, vector<16xi32>,
      tpu.vector_store_idx %arg12[%get3A_32], %broadcast_in_dim3A_5 {add = true} : memref<10240xf32, #tpu.memory_space<vmem>>[vector<16xi32>], vector<16xf32>,
      %get3A_33 = arith.index_cast %scan3A_19 : i32 to index
      %get3A_34 = arith.constant 48 : index
      %get3A_35 = tpu.vector_load %arg10[%get3A_33, %get3A_34] {strides = array<i32>} : memref<79x128xi32, #tpu.memory_space<vmem>>, vector<16xi32>,
      tpu.vector_store_idx %arg12[%get3A_35], %broadcast_in_dim3A_5 {add = true} : memref<10240xf32, #tpu.memory_space<vmem>>[vector<16xi32>], vector<16xf32>,
      %get3A_36 = arith.index_cast %scan3A_19 : i32 to index
      %get3A_37 = arith.constant 64 : index
      %get3A_38 = tpu.vector_load %arg10[%get3A_36, %get3A_37] {strides = array<i32>} : memref<79x128xi32, #tpu.memory_space<vmem>>, vector<16xi32>,
      tpu.vector_store_idx %arg12[%get3A_38], %broadcast_in_dim3A_5 {add = true} : memref<10240xf32, #tpu.memory_space<vmem>>[vector<16xi32>], vector<16xf32>,
      %get3A_39 = arith.index_cast %scan3A_19 : i32 to index
      %get3A_40 = arith.constant 80 : index
      %get3A_41 = tpu.vector_load %arg10[%get3A_39, %get3A_40] {strides = array<i32>} : memref<79x128xi32, #tpu.memory_space<vmem>>, vector<16xi32>,
      tpu.vector_store_idx %arg12[%get3A_41], %broadcast_in_dim3A_5 {add = true} : memref<10240xf32, #tpu.memory_space<vmem>>[vector<16xi32>], vector<16xf32>,
      %get3A_42 = arith.index_cast %scan3A_19 : i32 to index
      %get3A_43 = arith.constant 96 : index
      %get3A_44 = tpu.vector_load %arg10[%get3A_42, %get3A_43] {strides = array<i32>} : memref<79x128xi32, #tpu.memory_space<vmem>>, vector<16xi32>,
      tpu.vector_store_idx %arg12[%get3A_44], %broadcast_in_dim3A_5 {add = true} : memref<10240xf32, #tpu.memory_space<vmem>>[vector<16xi32>], vector<16xf32>,
      %get3A_45 = arith.index_cast %scan3A_19 : i32 to index
      %get3A_46 = arith.constant 112 : index
      %get3A_47 = tpu.vector_load %arg10[%get3A_45, %get3A_46] {strides = array<i32>} : memref<79x128xi32, #tpu.memory_space<vmem>>, vector<16xi32>,
      tpu.vector_store_idx %arg12[%get3A_47], %broadcast_in_dim3A_5 {add = true} : memref<10240xf32, #tpu.memory_space<vmem>>[vector<16xi32>], vector<16xf32>,
      %dma_wait3A = arith.constant 0 : i32
      %dma_wait3A_48 = tpu.memref_slice %arg9[%scan3A_19, %dma_wait3A] : memref<79x128xi32, #tpu.memory_space<vmem>> -> memref<1x128xi32, #tpu.memory_space<vmem>>
      %dma_wait3A_49 = tpu.memref_squeeze %dma_wait3A_48 : memref<1x128xi32, #tpu.memory_space<vmem>> -> memref<128xi32, #tpu.memory_space<vmem>>
      %dma_wait3A_50 = arith.constant 0 : i32
      %dma_wait3A_51 = arith.constant 0 : i32
      %dma_wait3A_52 = tpu.memref_slice %arg2[%dma_wait3A_50, %dma_wait3A_51] : memref<10240x128xf32, #tpu.memory_space<hbm>> -> memref<10240x128xf32, #tpu.memory_space<hbm>>
      tpu.wait_indirect_dma semaphore(%arg14 : memref<!tpu.dma_semaphore, #tpu.memory_space<semaphore_mem>>) src(%dma_wait3A_52 : memref<10240x128xf32, #tpu.memory_space<hbm>>) dst(%arg11 : memref<128x128xf32, #tpu.memory_space<vmem>>)
      "tpu.region"() ({
        %run_scoped3A = tpu.sem_alloc : memref<!tpu.dma_semaphore, #tpu.memory_space<semaphore_mem>>
        %dma_start3A_53 = arith.constant 0 : i32
        %dma_start3A_54 = tpu.memref_slice %arg10[%scan3A_19, %dma_start3A_53] : memref<79x128xi32, #tpu.memory_space<vmem>> -> memref<1x128xi32, #tpu.memory_space<vmem>>
        %dma_start3A_55 = tpu.memref_squeeze %dma_start3A_54 : memref<1x128xi32, #tpu.memory_space<vmem>> -> memref<128xi32, #tpu.memory_space<vmem>>
        %dma_start3A_56 = arith.constant 0 : i32
        %dma_start3A_57 = arith.constant 0 : i32
        %dma_start3A_58 = tpu.memref_slice %arg13[%dma_start3A_56, %dma_start3A_57] : memref<10240x128xf32, #tpu.memory_space<vmem_shared>> -> memref<10240x128xf32, #tpu.memory_space<vmem_shared>>
        tpu.enqueue_indirect_dma source(%arg11 : memref<128x128xf32, #tpu.memory_space<vmem>>) target(%dma_start3A_58 : memref<10240x128xf32, #tpu.memory_space<vmem_shared>>) offsets(%dma_start3A_55 : memref<128xi32, #tpu.memory_space<vmem>>) semaphore(%run_scoped3A : memref<!tpu.dma_semaphore, #tpu.memory_space<semaphore_mem>>) {add = true}
        %dma_wait3A_59 = arith.constant 0 : i32
        %dma_wait3A_60 = tpu.memref_slice %arg10[%scan3A_19, %dma_wait3A_59] : memref<79x128xi32, #tpu.memory_space<vmem>> -> memref<1x128xi32, #tpu.memory_space<vmem>>
        %dma_wait3A_61 = tpu.memref_squeeze %dma_wait3A_60 : memref<1x128xi32, #tpu.memory_space<vmem>> -> memref<128xi32, #tpu.memory_space<vmem>>
        %dma_wait3A_62 = arith.constant 0 : i32
        %dma_wait3A_63 = arith.constant 0 : i32
        %dma_wait3A_64 = tpu.memref_slice %arg13[%dma_wait3A_62, %dma_wait3A_63] : memref<10240x128xf32, #tpu.memory_space<vmem_shared>> -> memref<10240x128xf32, #tpu.memory_space<vmem_shared>>
        tpu.wait_indirect_dma semaphore(%run_scoped3A : memref<!tpu.dma_semaphore, #tpu.memory_space<semaphore_mem>>) src(%arg11 : memref<128x128xf32, #tpu.memory_space<vmem>>) dst(%dma_wait3A_64 : memref<10240x128xf32, #tpu.memory_space<vmem_shared>>)
        tpu.yield
      }) : () -> ()
    }
    %scan3A_10 = arith.constant 79 : i32
    %barrier3A_11 = arith.constant 0 : index
    tpu.barrier barrier_id(%barrier3A_11)
    %mul3A_12 = arith.constant 640 : i32
    %mul3A_13 = arith.muli %arg1, %mul3A_12 : i32
    %mul3A_14 = arith.constant 10240 : i32
    %mul3A_15 = arith.muli %arg0, %mul3A_14 : i32
    %mul3A_16 = arith.constant 640 : i32
    %mul3A_17 = arith.muli %arg1, %mul3A_16 : i32
    %add3A_18 = arith.addi %mul3A_15, %mul3A_17 : i32
    "tpu.region"() ({
      %run_scoped3A = tpu.sem_alloc : memref<!tpu.dma_semaphore, #tpu.memory_space<semaphore_mem>>
      %dma_start3A = arith.constant 0 : i32
      %dma_start3A_19 = tpu.memref_slice %arg7[%add3A_18, %dma_start3A] : memref<20480x128xf32, #tpu.memory_space<hbm>> -> memref<640x128xf32, #tpu.memory_space<hbm>>
      %dma_start3A_20 = arith.constant 0 : i32
      %dma_start3A_21 = tpu.memref_slice %arg13[%mul3A_13, %dma_start3A_20] : memref<10240x128xf32, #tpu.memory_space<vmem_shared>> -> memref<640x128xf32, #tpu.memory_space<vmem_shared>>
      tpu.enqueue_dma source(%dma_start3A_21 : memref<640x128xf32, #tpu.memory_space<vmem_shared>>) target(%dma_start3A_19 : memref<640x128xf32, #tpu.memory_space<hbm>>) target_semaphore(%run_scoped3A : memref<!tpu.dma_semaphore, #tpu.memory_space<semaphore_mem>>)
      %dma_wait3A = arith.constant 0 : i32
      %dma_wait3A_22 = tpu.memref_slice %arg7[%add3A_18, %dma_wait3A] : memref<20480x128xf32, #tpu.memory_space<hbm>> -> memref<640x128xf32, #tpu.memory_space<hbm>>
      %dma_wait3A_23 = arith.constant 0 : i32
      %dma_wait3A_24 = tpu.memref_slice %arg13[%mul3A_13, %dma_wait3A_23] : memref<10240x128xf32, #tpu.memory_space<vmem_shared>> -> memref<640x128xf32, #tpu.memory_space<vmem_shared>>
      tpu.wait_dma2 semaphore(%run_scoped3A : memref<!tpu.dma_semaphore, #tpu.memory_space<semaphore_mem>>) src(%dma_wait3A_24 : memref<640x128xf32, #tpu.memory_space<vmem_shared>>) dst(%dma_wait3A_22 : memref<640x128xf32, #tpu.memory_space<hbm>>)
      tpu.yield
    }) : () -> ()
    "tpu.region"() ({
      %run_scoped3A = tpu.sem_alloc : memref<!tpu.dma_semaphore, #tpu.memory_space<semaphore_mem>>
      %dma_start3A = arith.constant 0 : i32
      %dma_start3A_19 = tpu.memref_slice %arg8[%add3A, %dma_start3A] : memref<32x10240xf32, #tpu.memory_space<hbm>> -> memref<1x10240xf32, #tpu.memory_space<hbm>>
      %dma_start3A_20 = tpu.memref_squeeze %dma_start3A_19 : memref<1x10240xf32, #tpu.memory_space<hbm>> -> memref<10240xf32, #tpu.memory_space<hbm>>
      %dma_start3A_21 = arith.constant 0 : i32
      %dma_start3A_22 = tpu.memref_slice %arg8[%add3A, %dma_start3A_21] : memref<32x10240xf32, #tpu.memory_space<hbm>> -> memref<1x10240xf32, #tpu.memory_space<hbm>>
      %dma_start3A_23 = tpu.memref_squeeze %dma_start3A_22 : memref<1x10240xf32, #tpu.memory_space<hbm>> -> memref<10240xf32, #tpu.memory_space<hbm>>
      tpu.enqueue_dma source(%arg12 : memref<10240xf32, #tpu.memory_space<vmem>>) target(%dma_start3A_23 : memref<10240xf32, #tpu.memory_space<hbm>>) target_semaphore(%run_scoped3A : memref<!tpu.dma_semaphore, #tpu.memory_space<semaphore_mem>>)
      %dma_wait3A = arith.constant 0 : i32
      %dma_wait3A_24 = tpu.memref_slice %arg8[%add3A, %dma_wait3A] : memref<32x10240xf32, #tpu.memory_space<hbm>> -> memref<1x10240xf32, #tpu.memory_space<hbm>>
      %dma_wait3A_25 = tpu.memref_squeeze %dma_wait3A_24 : memref<1x10240xf32, #tpu.memory_space<hbm>> -> memref<10240xf32, #tpu.memory_space<hbm>>
      %dma_wait3A_26 = arith.constant 0 : i32
      %dma_wait3A_27 = tpu.memref_slice %arg8[%add3A, %dma_wait3A_26] : memref<32x10240xf32, #tpu.memory_space<hbm>> -> memref<1x10240xf32, #tpu.memory_space<hbm>>
      %dma_wait3A_28 = tpu.memref_squeeze %dma_wait3A_27 : memref<1x10240xf32, #tpu.memory_space<hbm>> -> memref<10240xf32, #tpu.memory_space<hbm>>
      tpu.wait_dma2 semaphore(%run_scoped3A : memref<!tpu.dma_semaphore, #tpu.memory_space<semaphore_mem>>) src(%arg12 : memref<10240xf32, #tpu.memory_space<vmem>>) dst(%dma_wait3A_28 : memref<10240xf32, #tpu.memory_space<hbm>>)
      tpu.yield
    }) : () -> ()
    return
  }
}

module attributes {stable_mosaic.version = 14 : i64} {
  func.func @_prep_body(%arg0: i32, %arg1: memref<5120x128xf32, #tpu.memory_space<vmem>>, %arg2: memref<5120x8xf32, #tpu.memory_space<vmem>>, %arg3: memref<128x128xf32, #tpu.memory_space<vmem>>, %arg4: memref<8x128xf32, #tpu.memory_space<vmem>>, %arg5: memref<5120x128xf32, #tpu.memory_space<vmem>>) attributes {dimension_semantics = [#tpu.dimension_semantics<arbitrary>], iteration_bounds = array<i64: 2>, scalar_prefetch = 0 : i64, scratch_operands = 0 : i64, tpu.core_type = #tpu.core_type<tc>, window_params = [{transform_indices = @transform_0, window_bounds = array<i64: 5120, 128>}, {transform_indices = @transform_1, window_bounds = array<i64: 5120, 8>}, {pipeline_mode = #tpu.pipeline_mode<synchronous>, transform_indices = @transform_2, window_bounds = array<i64: 128, 128>}, {pipeline_mode = #tpu.pipeline_mode<synchronous>, transform_indices = @transform_3, window_bounds = array<i64: 8, 128>}, {transform_indices = @transform_4, window_bounds = array<i64: 5120, 128>}]} {
    %get3A = arith.constant 0 : index
    %get3A_0 = arith.constant 0 : index
    %get3A_1 = vector.load %arg1[%get3A, %get3A_0] : memref<5120x128xf32, #tpu.memory_space<vmem>>, vector<5120x128xf32>
    %get3A_2 = arith.constant 0 : index
    %get3A_3 = arith.constant 0 : index
    %get3A_4 = vector.load %arg3[%get3A_2, %get3A_3] : memref<128x128xf32, #tpu.memory_space<vmem>>, vector<128x128xf32>
    %dot_general3A = arith.constant dense<0.000000e+00> : vector<5120x128xf32>
    %dot_general3A_5 = tpu.matmul %get3A_1, %get3A_4, %dot_general3A {dimension_numbers = #tpu.dot_dimension_numbers<[1], [0], [0], [1], [0, 0, 1, 1], [], []>, transpose_lhs_hint = false} : vector<5120x128xf32>, vector<128x128xf32>, vector<5120x128xf32> -> vector<5120x128xf32>
    %get3A_6 = arith.constant 0 : index
    %get3A_7 = arith.constant 0 : index
    %get3A_8 = vector.load %arg2[%get3A_6, %get3A_7] : memref<5120x8xf32, #tpu.memory_space<vmem>>, vector<5120x8xf32>
    %get3A_9 = arith.constant 0 : index
    %get3A_10 = arith.constant 0 : index
    %get3A_11 = vector.load %arg4[%get3A_9, %get3A_10] : memref<8x128xf32, #tpu.memory_space<vmem>>, vector<8x128xf32>
    %dot_general3A_12 = arith.constant dense<0.000000e+00> : vector<5120x128xf32>
    %dot_general3A_13 = tpu.matmul %get3A_8, %get3A_11, %dot_general3A_12 {dimension_numbers = #tpu.dot_dimension_numbers<[1], [0], [0], [1], [0, 0, 1, 1], [], []>, transpose_lhs_hint = false} : vector<5120x8xf32>, vector<8x128xf32>, vector<5120x128xf32> -> vector<5120x128xf32>
    %add3A = arith.addf %dot_general3A_5, %dot_general3A_13 : vector<5120x128xf32>
    %swap3A = arith.constant 0 : index
    %swap3A_14 = arith.constant 0 : index
    %swap3A_15 = vector.load %arg5[%swap3A, %swap3A_14] : memref<5120x128xf32, #tpu.memory_space<vmem>>, vector<5120x128xf32>
    tpu.vector_store %arg5[%swap3A, %swap3A_14], %add3A {strides = array<i32>} : memref<5120x128xf32, #tpu.memory_space<vmem>>, vector<5120x128xf32>,
    return
  }
  func.func @transform_0(%arg0: i32) -> (i32, i32) {
    %c0_i32 = arith.constant 0 : i32
    %c0_i32_0 = arith.constant 0 : i32
    return %arg0, %c0_i32 : i32, i32
  }
  func.func @transform_1(%arg0: i32) -> (i32, i32) {
    %c0_i32 = arith.constant 0 : i32
    %c0_i32_0 = arith.constant 0 : i32
    return %arg0, %c0_i32 : i32, i32
  }
  func.func @transform_2(%arg0: i32) -> (i32, i32) {
    %c0_i32 = arith.constant 0 : i32
    %c0_i32_0 = arith.constant 0 : i32
    %c0_i32_1 = arith.constant 0 : i32
    return %c0_i32, %c0_i32_0 : i32, i32
  }
  func.func @transform_3(%arg0: i32) -> (i32, i32) {
    %c0_i32 = arith.constant 0 : i32
    %c0_i32_0 = arith.constant 0 : i32
    %c0_i32_1 = arith.constant 0 : i32
    return %c0_i32, %c0_i32_0 : i32, i32
  }
  func.func @transform_4(%arg0: i32) -> (i32, i32) {
    %c0_i32 = arith.constant 0 : i32
    %c0_i32_0 = arith.constant 0 : i32
    return %arg0, %c0_i32 : i32, i32
  }
}

module attributes {stable_mosaic.version = 14 : i64} {
  func.func @_combine_body(%arg0: i32, %arg1: memref<5120x128xf32, #tpu.memory_space<vmem>>, %arg2: memref<5120x128xf32, #tpu.memory_space<vmem>>, %arg3: memref<2x5120x128xf32, #tpu.memory_space<vmem>>, %arg4: memref<32x5120xf32, #tpu.memory_space<vmem>>, %arg5: memref<128x128xf32, #tpu.memory_space<vmem>>, %arg6: memref<128x128xf32, #tpu.memory_space<vmem>>, %arg7: memref<128x128xf32, #tpu.memory_space<vmem>>, %arg8: memref<1x128xf32, #tpu.memory_space<vmem>>, %arg9: memref<1x128xf32, #tpu.memory_space<vmem>>, %arg10: memref<5120x128xf32, #tpu.memory_space<vmem>>) attributes {dimension_semantics = [#tpu.dimension_semantics<arbitrary>], iteration_bounds = array<i64: 2>, scalar_prefetch = 0 : i64, scratch_operands = 0 : i64, tpu.core_type = #tpu.core_type<tc>, window_params = [{transform_indices = @transform_0, window_bounds = array<i64: 5120, 128>}, {transform_indices = @transform_1, window_bounds = array<i64: 5120, 128>}, {transform_indices = @transform_2, window_bounds = array<i64: 2, 5120, 128>}, {transform_indices = @transform_3, window_bounds = array<i64: 32, 5120>}, {pipeline_mode = #tpu.pipeline_mode<synchronous>, transform_indices = @transform_4, window_bounds = array<i64: 128, 128>}, {pipeline_mode = #tpu.pipeline_mode<synchronous>, transform_indices = @transform_5, window_bounds = array<i64: 128, 128>}, {pipeline_mode = #tpu.pipeline_mode<synchronous>, transform_indices = @transform_6, window_bounds = array<i64: 128, 128>}, {pipeline_mode = #tpu.pipeline_mode<synchronous>, transform_indices = @transform_7, window_bounds = array<i64: 1, 128>}, {pipeline_mode = #tpu.pipeline_mode<synchronous>, transform_indices = @transform_8, window_bounds = array<i64: 1, 128>}, {transform_indices = @transform_9, window_bounds = array<i64: 5120, 128>}]} {
    %get3A = arith.constant 0 : index
    %get3A_0 = arith.constant 0 : index
    %get3A_1 = vector.load %arg1[%get3A, %get3A_0] : memref<5120x128xf32, #tpu.memory_space<vmem>>, vector<5120x128xf32>
    %get3A_2 = arith.constant 0 : index
    %get3A_3 = arith.constant 0 : index
    %get3A_4 = arith.constant 0 : index
    %get3A_5 = vector.load %arg3[%get3A_2, %get3A_3, %get3A_4] : memref<2x5120x128xf32, #tpu.memory_space<vmem>>, vector<1x5120x128xf32>
    %get3A_6 = vector.shape_cast %get3A_5 : vector<1x5120x128xf32> to vector<5120x128xf32>
    %get3A_7 = arith.constant 1 : index
    %get3A_8 = arith.constant 0 : index
    %get3A_9 = arith.constant 0 : index
    %get3A_10 = vector.load %arg3[%get3A_7, %get3A_8, %get3A_9] : memref<2x5120x128xf32, #tpu.memory_space<vmem>>, vector<1x5120x128xf32>
    %get3A_11 = vector.shape_cast %get3A_10 : vector<1x5120x128xf32> to vector<5120x128xf32>
    %add3A = arith.addf %get3A_6, %get3A_11 : vector<5120x128xf32>
    %get3A_12 = arith.constant 0 : index
    %get3A_13 = arith.constant 0 : index
    %get3A_14 = vector.load %arg4[%get3A_12, %get3A_13] : memref<32x5120xf32, #tpu.memory_space<vmem>>, vector<32x5120xf32>
    %reduce_sum3A = arith.constant dense<0.000000e+00> : vector<5120xf32>
    %reduce_sum3A_15 = vector.multi_reduction <add>, %get3A_14, %reduce_sum3A [0] : vector<32x5120xf32> to vector<5120xf32>
    %broadcast_in_dim3A = vector.shape_cast %reduce_sum3A_15 : vector<5120xf32> to vector<5120x1xf32>
    %max3A = arith.constant 1.000000e+00 : f32
    %max3A_16 = vector.broadcast %max3A : f32 to vector<5120x1xf32>
    %max3A_17 = arith.maximumf %broadcast_in_dim3A, %max3A_16 : vector<5120x1xf32>
    %gt3A = arith.constant 0.000000e+00 : f32
    %gt3A_18 = vector.broadcast %gt3A : f32 to vector<5120x1xf32>
    %gt3A_19 = arith.cmpf ogt, %broadcast_in_dim3A, %gt3A_18 : vector<5120x1xf32>
    %convert_element_type3A = arith.extui %gt3A_19 : vector<5120x1xi1> to vector<5120x1xi32>
    %convert_element_type3A_20 = arith.sitofp %convert_element_type3A : vector<5120x1xi32> to vector<5120x1xf32>
    %get3A_21 = arith.constant 0 : index
    %get3A_22 = arith.constant 0 : index
    %get3A_23 = vector.load %arg5[%get3A_21, %get3A_22] : memref<128x128xf32, #tpu.memory_space<vmem>>, vector<128x128xf32>
    %dot_general3A = arith.constant dense<0.000000e+00> : vector<5120x128xf32>
    %dot_general3A_24 = tpu.matmul %get3A_1, %get3A_23, %dot_general3A {dimension_numbers = #tpu.dot_dimension_numbers<[1], [0], [0], [1], [0, 0, 1, 1], [], []>, transpose_lhs_hint = false} : vector<5120x128xf32>, vector<128x128xf32>, vector<5120x128xf32> -> vector<5120x128xf32>
    %get3A_25 = arith.constant 0 : index
    %get3A_26 = arith.constant 0 : index
    %get3A_27 = vector.load %arg2[%get3A_25, %get3A_26] : memref<5120x128xf32, #tpu.memory_space<vmem>>, vector<5120x128xf32>
    %sub3A = arith.subf %dot_general3A_24, %get3A_27 : vector<5120x128xf32>
    %get3A_28 = arith.constant 0 : index
    %get3A_29 = arith.constant 0 : index
    %get3A_30 = vector.load %arg8[%get3A_28, %get3A_29] : memref<1x128xf32, #tpu.memory_space<vmem>>, vector<1x128xf32>
    %add3A_31 = vector.broadcast %get3A_30 : vector<1x128xf32> to vector<5120x128xf32>
    %add3A_32 = arith.addf %sub3A, %add3A_31 : vector<5120x128xf32>
    %mul3A = vector.broadcast %convert_element_type3A_20 : vector<5120x1xf32> to vector<5120x128xf32>
    %mul3A_33 = arith.mulf %mul3A, %add3A_32 : vector<5120x128xf32>
    %div3A = vector.broadcast %max3A_17 : vector<5120x1xf32> to vector<5120x128xf32>
    %div3A_34 = arith.divf %add3A, %div3A : vector<5120x128xf32>
    %add3A_35 = arith.addf %mul3A_33, %div3A_34 : vector<5120x128xf32>
    %get3A_36 = arith.constant 0 : index
    %get3A_37 = arith.constant 0 : index
    %get3A_38 = vector.load %arg6[%get3A_36, %get3A_37] : memref<128x128xf32, #tpu.memory_space<vmem>>, vector<128x128xf32>
    %dot_general3A_39 = arith.constant dense<0.000000e+00> : vector<5120x128xf32>
    %dot_general3A_40 = tpu.matmul %get3A_1, %get3A_38, %dot_general3A_39 {dimension_numbers = #tpu.dot_dimension_numbers<[1], [0], [0], [1], [0, 0, 1, 1], [], []>, transpose_lhs_hint = false} : vector<5120x128xf32>, vector<128x128xf32>, vector<5120x128xf32> -> vector<5120x128xf32>
    %get3A_41 = arith.constant 0 : index
    %get3A_42 = arith.constant 0 : index
    %get3A_43 = vector.load %arg7[%get3A_41, %get3A_42] : memref<128x128xf32, #tpu.memory_space<vmem>>, vector<128x128xf32>
    %dot_general3A_44 = arith.constant dense<0.000000e+00> : vector<5120x128xf32>
    %dot_general3A_45 = tpu.matmul %add3A_35, %get3A_43, %dot_general3A_44 {dimension_numbers = #tpu.dot_dimension_numbers<[1], [0], [0], [1], [0, 0, 1, 1], [], []>, transpose_lhs_hint = false} : vector<5120x128xf32>, vector<128x128xf32>, vector<5120x128xf32> -> vector<5120x128xf32>
    %add3A_46 = arith.addf %dot_general3A_40, %dot_general3A_45 : vector<5120x128xf32>
    %get3A_47 = arith.constant 0 : index
    %get3A_48 = arith.constant 0 : index
    %get3A_49 = vector.load %arg9[%get3A_47, %get3A_48] : memref<1x128xf32, #tpu.memory_space<vmem>>, vector<1x128xf32>
    %add3A_50 = vector.broadcast %get3A_49 : vector<1x128xf32> to vector<5120x128xf32>
    %add3A_51 = arith.addf %add3A_46, %add3A_50 : vector<5120x128xf32>
    %swap3A = arith.constant 0 : index
    %swap3A_52 = arith.constant 0 : index
    %swap3A_53 = vector.load %arg10[%swap3A, %swap3A_52] : memref<5120x128xf32, #tpu.memory_space<vmem>>, vector<5120x128xf32>
    tpu.vector_store %arg10[%swap3A, %swap3A_52], %add3A_51 {strides = array<i32>} : memref<5120x128xf32, #tpu.memory_space<vmem>>, vector<5120x128xf32>,
    return
  }
  func.func @transform_0(%arg0: i32) -> (i32, i32) {
    %c0_i32 = arith.constant 0 : i32
    %c0_i32_0 = arith.constant 0 : i32
    return %arg0, %c0_i32 : i32, i32
  }
  func.func @transform_1(%arg0: i32) -> (i32, i32) {
    %c0_i32 = arith.constant 0 : i32
    %c0_i32_0 = arith.constant 0 : i32
    return %arg0, %c0_i32 : i32, i32
  }
  func.func @transform_2(%arg0: i32) -> (i32, i32, i32) {
    %c0_i32 = arith.constant 0 : i32
    %c0_i32_0 = arith.constant 0 : i32
    %c0_i32_1 = arith.constant 0 : i32
    return %c0_i32, %arg0, %c0_i32_0 : i32, i32, i32
  }
  func.func @transform_3(%arg0: i32) -> (i32, i32) {
    %c0_i32 = arith.constant 0 : i32
    %c0_i32_0 = arith.constant 0 : i32
    return %c0_i32, %arg0 : i32, i32
  }
  func.func @transform_4(%arg0: i32) -> (i32, i32) {
    %c0_i32 = arith.constant 0 : i32
    %c0_i32_0 = arith.constant 0 : i32
    %c0_i32_1 = arith.constant 0 : i32
    return %c0_i32, %c0_i32_0 : i32, i32
  }
  func.func @transform_5(%arg0: i32) -> (i32, i32) {
    %c0_i32 = arith.constant 0 : i32
    %c0_i32_0 = arith.constant 0 : i32
    %c0_i32_1 = arith.constant 0 : i32
    return %c0_i32, %c0_i32_0 : i32, i32
  }
  func.func @transform_6(%arg0: i32) -> (i32, i32) {
    %c0_i32 = arith.constant 0 : i32
    %c0_i32_0 = arith.constant 0 : i32
    %c0_i32_1 = arith.constant 0 : i32
    return %c0_i32, %c0_i32_0 : i32, i32
  }
  func.func @transform_7(%arg0: i32) -> (i32, i32) {
    %c0_i32 = arith.constant 0 : i32
    %c0_i32_0 = arith.constant 0 : i32
    %c0_i32_1 = arith.constant 0 : i32
    return %c0_i32, %c0_i32_0 : i32, i32
  }
  func.func @transform_8(%arg0: i32) -> (i32, i32) {
    %c0_i32 = arith.constant 0 : i32
    %c0_i32_0 = arith.constant 0 : i32
    %c0_i32_1 = arith.constant 0 : i32
    return %c0_i32, %c0_i32_0 : i32, i32
  }
  func.func @transform_9(%arg0: i32) -> (i32, i32) {
    %c0_i32 = arith.constant 0 : i32
    %c0_i32_0 = arith.constant 0 : i32
    return %arg0, %c0_i32 : i32, i32
  }
}

</mosaic_0001>

<sc_bundles>
// kernel: kernel.5.cloned.1.call-start
scs
__scs_entry_jumppad:
0x0: {  	(pc) =	sbr.rel $0x88, $3  }
0x1: {  	(tag) =	ssettag $0x0;
	lr =	simm.s32 $0x1  }
0x2: {  	[smem:$0x3F9A] =	sst lr;
	_ =	strace $0xD0000000  }
0x3: {  	_ = 	snop  }
0x4: {  	_ = 	snop  }
0x5: {  	_ = 	snop  }
0x6: {  	_ = 	snop  }
0x7: {  	_ = 	snop  }
__scs_overlays_trampoline_lowered:
0x8: {  	[smem:$0x3FA9] =	sst s0  }
0x9: {  	[smem:$0x3FAA] =	sst s1  }
0xa: {  	[smem:$0x3FAB] =	sst s2  }
0xb: {  	[smem:$0x3FAC] =	sst s3  }
0xc: {  	[smem:$0x3FAD] =	sst s4  }
0xd: {  	[smem:$0x3FAE] =	sst s5  }
0xe: {  	[smem:$0x3FAF] =	sst s6  }
0xf: {  	[smem:$0x3FB0] =	sst s7  }
0x10: {  	[smem:$0x3FB1] =	sst s8  }
0x11: {  	[smem:$0x3FB2] =	sst s9;
	s0 =	simm.s32 @!p0 $0x0  }
0x12: {  	s1 =	sld [smem:$0x3F98];
	s0 =	simm.s32 @p0 $0x1  }
0x13: {  	[smem:$0x3FB3] =	sst s0;
	s0 =	simm.s32 @!p1 $0x0  }
0x14: {  	s2 =	sld [smem:$0x3F97];
	s0 =	simm.s32 @p1 $0x1  }
0x15: {  	[smem:$0x3FB4] =	sst s0;
	s0 =	simm.s32 @!p2 $0x0  }
0x16: {  	s3 =	sld [smem:$0x3FDB];
	s0 =	simm.s32 @p2 $0x1  }
0x17: {  	s4 =	simm.s32 $0x1BF5;
	[smem:$0x3FB6] =	sst s0  }
0x18: {  	s0 =	sld [smem:$0x3F99];
	_ =	swait.ge [sflag:s4], $0x0  }
0x19: {  	s7 =	sld [smem:$0x3F9A]  }
0x1a: {  	s8 =	sadd.s32 $0xFFFFE003, lr  }
0x1b: {  	s9 =	sadd.s32 $0xFFFFFEF7, lr;
	s5 =	simm.s32 $0xFFFFFFFF;
	p2 =	slt.u32 s8, $0xFFFFF086  }
0x1c: {  	p1 =	slt.u32 s9, $0xF7A;
	s5 =	simm.s32 @!p2 $0x0  }
0x1d: {  	s5 =	simm.s32 @p1 $0x1;
	p0 =	seq.s32 s7, s2  }
0x1e: {  	s7 =	smul.u32 @!p0 $0xF7A, s2;
	p2 =	seq.s32 @!p0 s5, $0x0  }
0x1f: {  	s9 =	smul.u32 $0xF7A, s1;
	s8 =	simm.s32 @!p0 $0x1BF5;
	p2 =	por !p2, p0  }
0x20: {  	[sflag:s8] =	ssyncset.s32 @!p0 $0xFFFFF086;
	s6 =	sadd.s32 @!p0 s3, s7;
	s7 =	simm.s32 @!p0 $0x108  }
0x21: {  	s3 =	sadd.s32 s3, s9;
	s6 =	sadd.s32 @!p0 $0x88, s6;
	s7 =	simm.s32 @p2 $0x1082  }
0x22: {  	[simem:s7], [sflag:s8] =	dma.local @!p0 [hbm:s6], $0xF7A  }
0x23: {  	s9 =	sor.u32 $0xD0000000, s2;
	s6 =	simm.s32 $0x108;
	_ =	swait.ge @!p0 [sflag:s8], $0x0  }
0x24: {  	s3 =	sadd.s32 $0x88, s3;
	s6 =	simm.s32 @!p1 $0x1082;
	[sflag:s4] =	ssyncset.s32 $0xFFFFF086  }
0x25: {  	[simem:s6], [sflag:s4] =	dma.local [hbm:s3], $0xF7A  }
0x26: {  	[smem:$0x3F9A] =	sst s1;
	(tag) =	ssettag s2;
	_ =	strace s9  }
0x27: {  	s1 =	sld [smem:$0x3FAA]  }
0x28: {  	s2 =	sld [smem:$0x3FAB]  }
0x29: {  	s4 =	sld [smem:$0x3FAD]  }
0x2a: {  	p0 =	seq.s32 s5, $0x0;
	s5 =	sld [smem:$0x3FAE]  }
0x2b: {  	s6 =	sld [smem:$0x3FAF]  }
0x2c: {  	s7 =	sld [smem:$0x3FB0]  }
0x2d: {  	s3 =	simm.s32 $0x108;
	s8 =	sld [smem:$0x3FB1]  }
0x2e: {  	s3 =	simm.s32 @!p0 $0x1082;
	s9 =	sld [smem:$0x3FB2]  }
0x2f: {  	lr =	sadd.s32 s0, s3;
	s0 =	sld [smem:$0x3FA9]  }
0x30: {  	s3 =	sld [smem:$0x3FAC]  }
0x31: {  	[smem:$0x3FB5] =	sst s10  }
0x32: {  	s10 =	sld [smem:$0x3FB3];
	_ =	sdelay $0x3  }
0x33: {  	p0 =	seq.s32 s10, $0x1;
	s10 =	sld [smem:$0x3FB5];
	_ =	sdelay $0x3  }
0x34: {  	[smem:$0x3FB5] =	sst s10  }
0x35: {  	s10 =	sld [smem:$0x3FB4];
	_ =	sdelay $0x3  }
0x36: {  	p1 =	seq.s32 s10, $0x1;
	s10 =	sld [smem:$0x3FB5];
	_ =	sdelay $0x3  }
0x37: {  	[smem:$0x3FB5] =	sst s10  }
0x38: {  	s10 =	sld [smem:$0x3FB6]  }
0x39: {  	_ = 	snop;
	(pc) =	sbr.ind lr, $3  }
0x3a: {  	_ = 	snop  }
0x3b: {  	_ = 	snop  }
0x3c: {  	p2 =	seq.s32 s10, $0x1;
	s10 =	sld [smem:$0x3FB5]  }
0x3d: {  	_ =	shalt  }
0x3e: {  	_ =	shalt  }
0x3f: {  	_ =	shalt  }
0x40: {  	_ =	shalt  }
0x41: {  	_ =	shalt  }
0x42: {  	_ =	shalt  }
0x43: {  	_ =	shalt  }
0x44: {  	_ =	shalt  }
0x45: {  	_ =	shalt  }
0x46: {  	_ =	shalt  }
0x47: {  	_ =	shalt  }
0x48: {  	_ =	shalt  }
0x49: {  	_ =	shalt  }
0x4a: {  	_ =	shalt  }
0x4b: {  	_ =	shalt  }
0x4c: {  	_ =	shalt  }
0x4d: {  	_ =	shalt  }
0x4e: {  	_ =	shalt  }
0x4f: {  	_ =	shalt  }
0x50: {  	_ =	shalt  }
0x51: {  	_ =	shalt  }
0x52: {  	_ =	shalt  }
0x53: {  	_ =	shalt  }
0x54: {  	_ =	shalt  }
0x55: {  	_ =	shalt  }
0x56: {  	_ =	shalt  }
0x57: {  	_ =	shalt  }
0x58: {  	_ =	shalt  }
0x59: {  	_ =	shalt  }
0x5a: {  	_ =	shalt  }
0x5b: {  	_ =	shalt  }
0x5c: {  	_ =	shalt  }
0x5d: {  	_ =	shalt  }
0x5e: {  	_ =	shalt  }
0x5f: {  	_ =	shalt  }
0x60: {  	_ =	shalt  }
0x61: {  	_ =	shalt  }
0x62: {  	_ =	shalt  }
0x63: {  	_ =	shalt  }
0x64: {  	_ =	shalt  }
0x65: {  	_ =	shalt  }
0x66: {  	_ =	shalt  }
0x67: {  	_ =	shalt  }
0x68: {  	_ =	shalt  }
0x69: {  	_ =	shalt  }
0x6a: {  	_ =	shalt  }
0x6b: {  	_ =	shalt  }
0x6c: {  	_ =	shalt  }
0x6d: {  	_ =	shalt  }
0x6e: {  	_ =	shalt  }
0x6f: {  	_ =	shalt  }
0x70: {  	_ =	shalt  }
0x71: {  	_ =	shalt  }
0x72: {  	_ =	shalt  }
0x73: {  	_ =	shalt  }
0x74: {  	_ =	shalt  }
0x75: {  	_ =	shalt  }
0x76: {  	_ =	shalt  }
0x77: {  	_ =	shalt  }
0x78: {  	_ =	shalt  }
0x79: {  	_ =	shalt  }
0x7a: {  	_ =	shalt  }
0x7b: {  	_ =	shalt  }
0x7c: {  	_ =	shalt  }
0x7d: {  	_ =	shalt  }
0x7e: {  	_ =	shalt  }
0x7f: {  	_ =	shalt  }
0x80: {  	_ =	shalt  }
0x81: {  	_ =	shalt  }
0x82: {  	_ =	shalt  }
0x83: {  	_ =	shalt  }
0x84: {  	_ =	shalt  }
0x85: {  	_ =	shalt  }
0x86: {  	_ =	shalt  }
0x87: {  	_ =	shalt  }
.Lfunc_end0:
.L_simem_size_0:
called_computation_lowered:
.L_overlay_start_0:
0x88: {  	s2 =	sld [smem:$0x3FD9]  }
0x89: {  	s3 =	sld [smem:$0x3FFE];
	_ =	sdelay $0x1  }
0x8a: {  	s1 =	srdreg.scid  }
0x8b: {  	s0 =	sand.u32 $0x1, s1  }
0x8c: {  	s17 =	sshll.u32 s0, $0xA;
	s2 =	sadd.s32 s3, s2  }
0x8d: {  	s2 =	sadd.s32 s2, s17  }
0x8e: {  	[smem:$0x3FC1] =	sst s2  }
0x8f: {  	_ = 	snop  }
0x90: {  	s2 =	sld [smem:$0x3FD0];
	(tm) =	ssettm $0x1  }
0x91: {  	s18 =	sld [smem:$0x3FFB];
	_ =	sdelay $0x3  }
0x92: {  	_ =	strace s18  }
0x93: {  	s3 =	sld [smem:$0x3FFC];
	_ =	sdelay $0x3  }
0x94: {  	_ =	strace s3  }
0x95: {  	s3 =	sld [smem:$0x3FFD];
	_ =	sdelay $0x3  }
0x96: {  	_ =	strace s3  }
0x97: {  	_ =	strace $0x8FFFFFFF  }
0x98: {  	s19 =	sld [smem:$0x3FDB];
	_ =	sdelay $0x1  }
0x99: {  	s4 =	simm.s32 $_scs_section_size  }
0x9a: {  	s5 =	simm.s32 $_size__tile_overlayer_lowered;
	s6 =	simm.s32 $_tile_overlayer_lowered  }
0x9b: {  	s22 =	simm.s32 $0x1BFF;
	s21 =	sshll.u32 s6, $0x1;
	s3 =	sadd.s32 s4, s19  }
0x9c: {  	s7 =	simm.s32 $0x0;
	s20 =	sshll.u32 s5, $0x1;
	s5 =	sadd.s32 s21, s3  }
0x9d: {  	[timem:s7], [sflag:s22] =	dma.local [hbm:s5], s20  }
0x9e: {  	_ =	swait.ge [sflag:s22], s20  }
0x9f: {  	s4 =	ssub.s32 $0x0, s20;
	[sflag:s22] =	ssyncset.done $0x0  }
0xa0: {  	[sflag:s22] =	ssyncadd.s32 s4;
	_ =	sdelay $0x1  }
0xa1: {  	s23 =	simm.s32 $0x1B8B  }
0xa2: {  	_ =	swait.ge [sflag:s23], $0x1  }
0xa3: {  	[sflag:s23] =	ssyncset.done $0x0  }
0xa4: {  	s25 =	simm.s32 $0x1B8E;
	s24 =	sld [smem:$0x3FFE];
	[sflag:s23] =	ssyncadd.s32 $0xFFFFFFFF  }
0xa5: {  	s26 =	simm.s32 $execute0_lowered;
	[smem:$0x3FD2] =	sst s25  }
0xa6: {  	s5 =	sshll.u32 s26, $0x1;
	_ =	strace $0x80000046;
	[dreg:$0x1] =	wrdreg $0xFFFFFFFF  }
0xa7: {  	s28 =	simm.s32 $_size_execute0_lowered;
	s3 =	sadd.s32 s3, s5;
	[dreg:$0x0] =	wrdreg $0x0  }
0xa8: {  	s5 =	sshll.u32 s28, $0x1;
	[dreg:$0x2] =	wrdreg s3  }
0xa9: {  	[dreg:$0x3] =	wrdreg s5  }
0xaa: {  	[dreg:$0x4] =	wrdreg $0xC0  }
0xab: {  	_ =	task [dreg:s7], $0x5FFFF  }
0xac: {  	[dreg:$0x1] =	wrdreg $0xFFFFFFFF  }
0xad: {  	[dreg:$0x0] =	wrdreg $0x60  }
0xae: {  	[dreg:$0x2] =	wrdreg s24  }
0xaf: {  	[dreg:$0x3] =	wrdreg s2  }
0xb0: {  	[dreg:$0x4] =	wrdreg $0xB7000  }
0xb1: {  	[dreg:$0x5] =	wrdreg $0x9  }
0xb2: {  	_ =	task.clear_ibuf [dreg:s7], $0x6FFFF;
	_ =	strace $0x90000046  }
0xb3: {  	s29 =	simm.s32 $0x9;
	_ =	strace $0x80000048  }
0xb4: {  	_ =	swait.ge [sflag:s29], $0x1  }
0xb5: {  	[sflag:s29] =	ssyncadd.s32 $0xFFFFFFFF  }
0xb6: {  	_ =	strace $0x90000048  }
0xb7: {  	_ =	sfence  }
0xb8: {  	s30 =	sld [smem:$0x0];
	_ =	sdelay $0x2  }
0xb9: {  	s31 =	sshll.u32 s1, $0xD;
	s1 =	sshrl.u32 s1, $0x2  }
0xba: {  	s3 =	sand.u32 $0x4000, s31;
	s1 =	sadd.s32 s1, s30  }
0xbb: {  	s0 =	sor.u32 s3, s0;
	s1 =	sshll.u32 s1, $0x11  }
0xbc: {  	s0 =	sor.u32 s1, s0  }
0xbd: {  	s0 =	sadd.s32 $0x8F2B, s0  }
0xbe: {  	[sflag:s0] =	ssyncadd.remote.s32 $0x1  }
0xbf: {  	_ =	sfence.sel $0xFFFF  }
0xc0: {  	[dreg:$0x0] =	wrdreg $0xFFFFFFFF;
	(pc) =	sbr.abs _section_cstart, $3  }
0xc1: {  	[dreg:$0x1] =	wrdreg $0xFFFFFFFF  }
0xc2: {  	_ =	task.clear_ibuf [dreg:s7], $0x2FFFF;
	_ =	strace $0x9FFFFFFF  }
0xc3: {  	(tm) =	ssettm $0x7FFFFFFF  }
tec
execute0_lowered:
.L_overlay_start_1:
0x0: {  	(tag) =	ssettag $0x1  }
0x1: {  	s6 =	rddreg [dreg:$0x0]  }
0x2: {  	s11 =	rddreg [dreg:$0x1]  }
0x3: {  	s0 =	srdreg.scid;
	s2 =	rddreg [dreg:$0x2];
	s3 =	simm.s32 $0x0  }
0x4: {  	s16 =	simm.s32 $0x2780;
	s17 =	simm.s32 $0x80;
	s18 =	simm.s32 $0x4F00  }
0x5: {  	s19 =	simm.s32 $0x1;
	s5 =	sand.u32 $0x1, s0;
	s0 =	stileid.u32  }
0x6: {  	s20 =	simm.s32 $0x0;
	[smem:$0x7FF] =	sst s3;
	s9 =	smul.u32 $0x14000, s0  }
0x7: {  	s4 =	sadd.s32 $0x15C00, s6;
	s1 =	sshll.u32 s5, $0x4;
	s10 =	smul.u32 $0x2800, s0  }
0x8: {  	s12 =	smul.u32 $0x28000, s5;
	s14 =	ssub.s32 $0x2, s5;
	s5 =	sadd.s32 $0x3DC00, s6  }
0x9: {  	s31 =	sshll.u32 s0, $0x6;
	s7 =	sor.u32 s0, s1;
	s1 =	rddreg [dreg:$0x3]  }
0xa: {  	_ =	strace $0x80000047;
	s29 =	sshrl.u32 s14, $0x1;
	s8 =	smul.u32 $0x4F0, s7  }
0xb: {  	s28 =	sshrl.u32 s9, $0x3;
	s10 =	sadd.s32 s10, s12;
	s12 =	ssub.s32 s14, s29  }
0xc: {  	s30 =	sadd.s32 s9, s2;
	s15 =	smul.u32 $0x500, s7;
	s7 =	sor.u32 $0x1C02, s31  }
0xd: {  	s14 =	simm.s32 $0x2;
	s10 =	sadd.s32 s10, s6;
	s12 =	smax.u32 s12, $0x1  }
0xe: {  	s13 =	sadd.s32 s8, s6;
	s8 =	sadd.s32 s28, s6;
	s10 =	sadd.s32 $0x66200, s10  }
0xf: {  	s11 =	sadd.s32 s11, s15;
	s15 =	simm.s32 $0x8F00;
	s6 =	sadd.s32 $0x3E200, s8  }
0x10: {  	v0 =	vimm.f32 $1.000000000e+00;
	s8 =	sadd.s32 $0xBE00, s13;
	s9 =	sadd.s32 $0x2000, s13;
	s13 =	sshrl.u32 s30, $0x3  }
.LBB2_1:
0x11: {  	[spmem:s13], [sflag:s7] =	dma.local [hbm:s6], $0x2800  }
0x12: {  	_ =	swait.ge [sflag:s14], $0x2800  }
0x13: {  	[sflag:s14] =	ssyncset.done $0x0  }
0x14: {  	[sflag:s14] =	ssyncadd.s32 $0xFFFFD800  }
0x15: {  	[tilespmem:s15], [sflag:$0x2] =	stream.linear.gather [hbm4b:s5+s3], $0x2800, $0x38;
	[tilespmem:$0x1F700] =	vst v63  }
0x16: {  	_ =	swait.ge [sflag:s14], $0x2800  }
0x17: {  	[sflag:s14] =	ssyncset.done $0x0  }
0x18: {  	[sflag:s14] =	ssyncadd.s32 $0xFFFFD800  }
0x19: {  	[tilespmem:s3], [sflag:$0x2] =	stream.linear.gather [hbm4b:s8+s3], $0x2780, $0x38;
	[tilespmem:$0x1F700] =	vst v63  }
0x1a: {  	_ =	swait.ge [sflag:s14], $0x2780  }
0x1b: {  	[sflag:s14] =	ssyncset.done $0x0  }
0x1c: {  	[sflag:s14] =	ssyncadd.s32 $0xFFFFD880  }
0x1d: {  	[tilespmem:s16], [sflag:$0x2] =	stream.linear.gather [hbm4b:s9+s3], $0x2780, $0x38;
	[tilespmem:$0x1F700] =	vst v63  }
0x1e: {  	_ =	swait.ge [sflag:s14], $0x2780  }
0x1f: {  	[sflag:s14] =	ssyncset.done $0x0  }
0x20: {  	[sflag:s14] =	ssyncadd.s32 $0xFFFFD880  }
0x21: {  	s21 =	simm.s32 $0x0;
	[bflag:$0x0] =	sbarrier.arrive $0xFFFF  }
.LBB2_2:
0x22: {  	s22 =	sshra.s32 s21, $0x2  }
0x23: {  	[tilespmem:s18], [sflag:$0x1] =	stream.indirect.gather [hbm4b:s4+s17], $0x80, s22, s17, $0xb8;
	[tilespmem:$0x1F700] =	vst v63  }
0x24: {  	v1 =	vld [tilespmem:s22+$0x2780];
	_ =	sdelay $0x7  }
0x25: {  	[tilespmem:v1+s15+$0x0] =	vst.idx.add.f32.msk $0xffff, v0  }
0x26: {  	v1 =	vld [tilespmem:s22+$0x2790];
	_ =	sdelay $0x7  }
0x27: {  	[tilespmem:v1+s15+$0x0] =	vst.idx.add.f32.msk $0xffff, v0  }
0x28: {  	v1 =	vld [tilespmem:s22+$0x27A0];
	_ =	sdelay $0x7  }
0x29: {  	[tilespmem:v1+s15+$0x0] =	vst.idx.add.f32.msk $0xffff, v0  }
0x2a: {  	v1 =	vld [tilespmem:s22+$0x27B0];
	_ =	sdelay $0x7  }
0x2b: {  	[tilespmem:v1+s15+$0x0] =	vst.idx.add.f32.msk $0xffff, v0  }
0x2c: {  	v1 =	vld [tilespmem:s22+$0x27C0];
	_ =	sdelay $0x7  }
0x2d: {  	[tilespmem:v1+s15+$0x0] =	vst.idx.add.f32.msk $0xffff, v0  }
0x2e: {  	v1 =	vld [tilespmem:s22+$0x27D0];
	_ =	sdelay $0x7  }
0x2f: {  	[tilespmem:v1+s15+$0x0] =	vst.idx.add.f32.msk $0xffff, v0  }
0x30: {  	v1 =	vld [tilespmem:s22+$0x27E0];
	_ =	sdelay $0x7  }
0x31: {  	[tilespmem:v1+s15+$0x0] =	vst.idx.add.f32.msk $0xffff, v0  }
0x32: {  	v1 =	vld [tilespmem:s22+$0x27F0];
	_ =	sdelay $0x7  }
0x33: {  	[tilespmem:v1+s15+$0x0] =	vst.idx.add.f32.msk $0xffff, v0  }
0x34: {  	_ =	swait.ge [sflag:s19], $0x4000  }
0x35: {  	p0 =	sne.s32 s21, $0x9C00;
	[sflag:s19] =	ssyncset.done $0x0  }
.Ltmp0:
0x36: {  	s22 =	sadd.s32 $0x2780, s22;
	[sflag:s19] =	ssyncadd.s32 $0xFFFFC000;
	(pc) =	sbr.rel @p0 .LBB2_2-.Ltmp0, $4  }
0x37: {  	[spmem:s2] =	stream.indirect.scatter.add.f32 [tilespmem:s18], [sflag:$0x2], $0x80, s22, s17, $0xb8;
	[tilespmem:$0x1F700] =	vst v63  }
0x38: {  	_ =	swait.ge [sflag:s14], $0x4000  }
0x39: {  	[sflag:s14] =	ssyncset.done $0x0  }
0x3a: {  	s21 =	sadd.s32 $0x200, s21;
	[sflag:s14] =	ssyncadd.s32 $0xFFFFC000  }
0x3b: {  	[bflag:$0x0] =	sbarrier.arrive $0xFFFF  }
0x3c: {  	[hbm:s10], [sflag:s7] =	dma.local [spmem:s13], $0x2800  }
0x3d: {  	s20 =	sadd.s32 $0x1, s20;
	_ =	swait.ge [sflag:s14], $0x2800  }
0x3e: {  	p0 =	sne.s32 s20, s12;
	[sflag:s14] =	ssyncset.done $0x0  }
.Ltmp1:
0x3f: {  	[sflag:s14] =	ssyncadd.s32 $0xFFFFD800;
	(pc) =	sbr.rel @p0 .LBB2_1-.Ltmp1, $4  }
0x40: {  	[hbm4b:s11+s3] =	stream.linear.scatter [tilespmem:s15], [sflag:$0x2], $0x2800, $0x38;
	[tilespmem:$0x1F700] =	vst v63  }
0x41: {  	_ =	swait.ge [sflag:s14], $0x2800  }
0x42: {  	[sflag:s14] =	ssyncset.done $0x0  }
0x43: {  	[sflag:s14] =	ssyncadd.s32 $0xFFFFD800  }
0x44: {  	_ =	sfence.sel $0x180000  }
0x45: {  	[bflag:$0x0] =	sbarrier.arrive $0xFFFF  }
0x46: {  	p0 =	sne.s32 s0, $0x0;
	_ =	strace $0x90000047  }
0x47: {  	s0 =	sadd.s32 @!p0 $0x100000, s1;
	[bflag:$0x2] =	sbarrier.arrive $0xFFFF  }
0x48: {  	[sflag:s0] =	ssyncadd.tile.s32 @!p0 $0x1;
	_ =	shalt  }
.Lfunc_end2:
_tile_overlayer_lowered:
.L_overlay_start_2:
0x49: {  	(tag) =	ssettag $0x2  }
0x4a: {  	s0 =	rddreg [dreg:$0x0];
	s2 =	stileid.u32  }
0x4b: {  	s1 =	rddreg [dreg:$0x1];
	p0 =	sne.s32 s2, $0x0  }
0x4c: {  	s3 =	rddreg [dreg:$0x2];
	[bflag:$0x3] =	sbarrier.arrive $0xFFFF;
	s2 =	simm.s32 @!p0 $0x1C02  }
0x4d: {  	[timem:s3], [sflag:s2] =	dma.local @!p0 [hbm:s0], s1  }
0x4e: {  	s0 =	simm.s32 @!p0 $0x2  }
0x4f: {  	_ =	swait.ge @!p0 [sflag:s0], s1  }
0x50: {  	s1 =	ssub.s32 @!p0 $0x0, s1;
	[sflag:s0] =	ssyncset.done @!p0 $0x0  }
0x51: {  	[sflag:s0] =	ssyncadd.s32 @!p0 s1  }
0x52: {  	[bflag:$0x3] =	sbarrier.arrive $0xFFFF  }
0x53: {  	_ =	shalt  }

</sc_bundles>
